<compile_context>
chip_gen: v7x
topology: tpu7x:2x2x1
jax: 0.10.2.dev20260603
libtpu: 0.0.44.dev20260713+nightly
codegen_flags: <defaults>
</compile_context>

<pallas_src>
import functools
import math

import jax
import jax.numpy as jnp
import numpy as np
from jax import lax
from jax.experimental import pallas as pl
from jax.experimental.pallas import tpu as pltpu
from jax.experimental.pallas import tpu_sc as plsc

LANES = 16
UNROLL = 8


@functools.cache
def _fps_sc(B, L, k):
    mesh = plsc.VectorSubcoreMesh(core_axis_name="c", subcore_axis_name="s")
    num_chunks = L // LANES

    @functools.partial(
        pl.kernel,
        out_type=jax.ShapeDtypeStruct((B, k), jnp.int32),
        mesh=mesh,
        compiler_params=pltpu.CompilerParams(needs_layout_passes=False),
        scratch_types=[
            pltpu.VMEM((L,), jnp.float32),
            pltpu.VMEM((L,), jnp.float32),
            pltpu.VMEM((L,), jnp.float32),
            pltpu.VMEM((L,), jnp.float32),
            pltpu.VMEM((k,), jnp.int32),
            pltpu.VMEM((128,), jnp.int32),
        ],
    )
    def kern(x0_hbm, x1_hbm, x2_hbm, start_hbm, out_hbm, x0, x1, x2, md, sel, st):
        wid = lax.axis_index("s") * 2 + lax.axis_index("c")

        @pl.when(wid < B)
        def _():
            b = wid
            pltpu.sync_copy(x0_hbm.at[b], x0)
            pltpu.sync_copy(x1_hbm.at[b], x1)
            pltpu.sync_copy(x2_hbm.at[b], x2)
            pltpu.sync_copy(start_hbm, st)

            lanes = lax.iota(jnp.int32, LANES)
            inf16 = jnp.full((LANES,), jnp.inf, jnp.float32)

            @plsc.parallel_loop(0, num_chunks, unroll=UNROLL)
            def _init(j):
                md[pl.ds(j * LANES, LANES)] = inf16

            def outer(i, cur):
                plsc.store_scatter(
                    sel, [jnp.full((LANES,), i, jnp.int32)], cur, mask=lanes == 0
                )
                c0 = plsc.load_gather(x0, [cur])
                c1 = plsc.load_gather(x1, [cur])
                c2 = plsc.load_gather(x2, [cur])

                best0 = jnp.full((LANES,), -1.0, jnp.float32)
                bidx0 = jnp.zeros((LANES,), jnp.int32)

                @plsc.parallel_loop(
                    0, num_chunks, unroll=UNROLL, carry=(best0, bidx0)
                )
                def chunk(j, carry):
                    best, bidx = carry
                    off = j * LANES
                    t0 = x0[pl.ds(off, LANES)] - c0
                    t1 = x1[pl.ds(off, LANES)] - c1
                    t2 = x2[pl.ds(off, LANES)] - c2
                    d2 = t0 * t0 + t2 * t2 + t1 * t1
                    nmd = jnp.minimum(md[pl.ds(off, LANES)], d2)
                    md[pl.ds(off, LANES)] = nmd
                    upd = nmd > best
                    best = jnp.where(upd, nmd, best)
                    bidx = jnp.where(upd, jnp.full((LANES,), j, jnp.int32), bidx)
                    return best, bidx

                best, bidx = chunk
                m = jnp.max(best)
                gidx = bidx * LANES + lanes
                cand = jnp.where(best == m, gidx, jnp.full((LANES,), L, jnp.int32))
                nxt = jnp.min(cand)
                return jnp.full((LANES,), nxt, jnp.int32)

            cur0 = plsc.load_gather(st, [jnp.full((LANES,), b, jnp.int32)])
            lax.fori_loop(0, k, outer, cur0)
            pltpu.sync_copy(sel, out_hbm.at[b])

    return kern


def kernel(x, ptr, ratio, random_start):
    N, D = x.shape
    B = int(ptr.shape[0]) - 1
    L = N // B
    k = int(math.ceil(0.5 * L))
    xs = x.reshape(B, L, D)
    x0 = xs[:, :, 0]
    x1 = xs[:, :, 1]
    x2 = xs[:, :, 2]
    rng = np.random.RandomState(0)
    start_rand = jnp.asarray(rng.randint(0, L, size=(B,)), dtype=jnp.int32)
    start = jnp.where(
        jnp.asarray(random_start, dtype=bool),
        start_rand,
        jnp.zeros((B,), dtype=jnp.int32),
    )
    start_p = jnp.zeros((128,), jnp.int32).at[:B].set(start)
    sel = _fps_sc(B, L, k)(x0, x1, x2, start_p)
    flat = sel + ptr[:B].astype(jnp.int32)[:, None]
    return flat.reshape(-1)

# --- scband reference (transcript-rebuilt; emitter-appended) ---
"""Pipeline reference for scband-fps-infer-model-89386859364997 (READ-ONLY COPY).

The authoritative reference and input builder live on the scoring server;
editing this copy changes nothing except your own understanding.
"""

import jax, jax.numpy as jnp
import numpy as np


def setup_inputs(seed: int = 0) -> dict:
    key = jax.random.key(seed)
    B, L, D = 16, 2048, 3
    x = jax.random.normal(key, (B * L, D), dtype=jnp.float32)
    ptr = jnp.arange(B + 1, dtype=jnp.int32) * L
    return {"x": x, "ptr": ptr, "ratio": 0.5, "random_start": False}


def reference(x, ptr, ratio, random_start):
    # Farthest point sampling per batch segment (segments given by ptr, assumed equal-length).
    B = int(ptr.shape[0]) - 1
    N, D = x.shape
    L = N // B
    xs = x.reshape(B, L, D)
    k = int(np.ceil(0.5 * L))
    rng = np.random.RandomState(0)
    start_rand = jnp.asarray(rng.randint(0, L, size=(B,)), dtype=jnp.int32)
    start = jnp.where(jnp.asarray(random_start, dtype=bool),
                      start_rand,
                      jnp.zeros((B,), dtype=jnp.int32))
    min_dist = jnp.full((B, L), jnp.inf, dtype=jnp.float32) + (jnp.asarray(ratio) * 0).astype(jnp.float32)
    sel = jnp.zeros((B, k), dtype=jnp.int32)

    def body(i, state):
        md, cur, s = state
        s = s.at[:, i].set(cur)
        cur_pts = jnp.take_along_axis(xs, cur[:, None, None], axis=1)  # [B,1,D]
        d2 = jnp.sum((xs - cur_pts) ** 2, axis=-1)  # [B,L]
        md = jnp.minimum(md, d2)
        nxt = jnp.argmax(md, axis=1).astype(jnp.int32)
        return (md, nxt, s)

    _, _, sel = jax.lax.fori_loop(0, k, body, (min_dist, start, sel))
    offsets = ptr[:B].astype(jnp.int32)
    flat = sel + offsets[:, None]
    return flat.reshape(-1)

if __name__ == "__main__":
    import jax
    _d = setup_inputs()
    print(jax.jit(kernel)(*tuple(_d.values())))

</pallas_src>

<mosaic_0001>
#map = affine_map<(d0, d1) -> (0, 0)>
#map1 = affine_map<(d0, d1) -> (0)>
module attributes {stable_mosaic.version = 14 : i64} {
  func.func @kern(%arg0: i32, %arg1: i32, %arg2: memref<16x2048xf32, #tpu.memory_space<hbm>>, %arg3: memref<16x2048xf32, #tpu.memory_space<hbm>>, %arg4: memref<16x2048xf32, #tpu.memory_space<hbm>>, %arg5: memref<128xi32, #tpu.memory_space<hbm>>, %arg6: memref<16x1024xi32, #tpu.memory_space<hbm>>, %arg7: memref<2048xf32, #tpu.memory_space<vmem>>, %arg8: memref<2048xf32, #tpu.memory_space<vmem>>, %arg9: memref<2048xf32, #tpu.memory_space<vmem>>, %arg10: memref<2048xf32, #tpu.memory_space<vmem>>, %arg11: memref<1024xi32, #tpu.memory_space<vmem>>, %arg12: memref<128xi32, #tpu.memory_space<vmem>>) attributes {dimension_semantics = [#tpu.dimension_semantics<core_parallel>, #tpu.dimension_semantics<subcore_parallel>], iteration_bounds = array<i64: 2, 16>, scalar_prefetch = 0 : i64, scratch_operands = 6 : i64, tpu.core_type = #tpu.core_type<sc_vector_subcore>, window_params = [{transform_indices = #map}, {transform_indices = #map}, {transform_indices = #map}, {transform_indices = #map1}, {transform_indices = #map}]} {
    %mul3A = arith.constant 2 : i32
    %mul3A_0 = arith.muli %arg1, %mul3A : i32
    %add3A = arith.addi %mul3A_0, %arg0 : i32
    %lt3A = arith.constant 16 : i32
    %lt3A_1 = arith.cmpi slt, %add3A, %lt3A : i32
    %convert_element_type3A = arith.extui %lt3A_1 : i1 to i32
    %cond3A = arith.constant 0 : i32
    %cond3A_2 = arith.cmpi ne, %convert_element_type3A, %cond3A : i32
    scf.if %cond3A_2 {
      "tpu.region"() ({
        %run_scoped3A = tpu.sem_alloc : memref<!tpu.dma_semaphore, #tpu.memory_space<semaphore_mem>>
        %dma_start3A = arith.constant 0 : i32
        %dma_start3A_12 = tpu.memref_slice %arg2[%add3A, %dma_start3A] : memref<16x2048xf32, #tpu.memory_space<hbm>> -> memref<1x2048xf32, #tpu.memory_space<hbm>>
        %dma_start3A_13 = tpu.memref_squeeze %dma_start3A_12 : memref<1x2048xf32, #tpu.memory_space<hbm>> -> memref<2048xf32, #tpu.memory_space<hbm>>
        %dma_start3A_14 = arith.constant 0 : i32
        %dma_start3A_15 = tpu.memref_slice %arg2[%add3A, %dma_start3A_14] : memref<16x2048xf32, #tpu.memory_space<hbm>> -> memref<1x2048xf32, #tpu.memory_space<hbm>>
        %dma_start3A_16 = tpu.memref_squeeze %dma_start3A_15 : memref<1x2048xf32, #tpu.memory_space<hbm>> -> memref<2048xf32, #tpu.memory_space<hbm>>
        tpu.enqueue_dma source(%dma_start3A_16 : memref<2048xf32, #tpu.memory_space<hbm>>) target(%arg7 : memref<2048xf32, #tpu.memory_space<vmem>>) target_semaphore(%run_scoped3A : memref<!tpu.dma_semaphore, #tpu.memory_space<semaphore_mem>>)
        %dma_wait3A = arith.constant 0 : i32
        %dma_wait3A_17 = tpu.memref_slice %arg2[%add3A, %dma_wait3A] : memref<16x2048xf32, #tpu.memory_space<hbm>> -> memref<1x2048xf32, #tpu.memory_space<hbm>>
        %dma_wait3A_18 = tpu.memref_squeeze %dma_wait3A_17 : memref<1x2048xf32, #tpu.memory_space<hbm>> -> memref<2048xf32, #tpu.memory_space<hbm>>
        %dma_wait3A_19 = arith.constant 0 : i32
        %dma_wait3A_20 = tpu.memref_slice %arg2[%add3A, %dma_wait3A_19] : memref<16x2048xf32, #tpu.memory_space<hbm>> -> memref<1x2048xf32, #tpu.memory_space<hbm>>
        %dma_wait3A_21 = tpu.memref_squeeze %dma_wait3A_20 : memref<1x2048xf32, #tpu.memory_space<hbm>> -> memref<2048xf32, #tpu.memory_space<hbm>>
        tpu.wait_dma2 semaphore(%run_scoped3A : memref<!tpu.dma_semaphore, #tpu.memory_space<semaphore_mem>>) src(%dma_wait3A_21 : memref<2048xf32, #tpu.memory_space<hbm>>) dst(%arg7 : memref<2048xf32, #tpu.memory_space<vmem>>)
        tpu.yield
      }) : () -> ()
      "tpu.region"() ({
        %run_scoped3A = tpu.sem_alloc : memref<!tpu.dma_semaphore, #tpu.memory_space<semaphore_mem>>
        %dma_start3A = arith.constant 0 : i32
        %dma_start3A_12 = tpu.memref_slice %arg3[%add3A, %dma_start3A] : memref<16x2048xf32, #tpu.memory_space<hbm>> -> memref<1x2048xf32, #tpu.memory_space<hbm>>
        %dma_start3A_13 = tpu.memref_squeeze %dma_start3A_12 : memref<1x2048xf32, #tpu.memory_space<hbm>> -> memref<2048xf32, #tpu.memory_space<hbm>>
        %dma_start3A_14 = arith.constant 0 : i32
        %dma_start3A_15 = tpu.memref_slice %arg3[%add3A, %dma_start3A_14] : memref<16x2048xf32, #tpu.memory_space<hbm>> -> memref<1x2048xf32, #tpu.memory_space<hbm>>
        %dma_start3A_16 = tpu.memref_squeeze %dma_start3A_15 : memref<1x2048xf32, #tpu.memory_space<hbm>> -> memref<2048xf32, #tpu.memory_space<hbm>>
        tpu.enqueue_dma source(%dma_start3A_16 : memref<2048xf32, #tpu.memory_space<hbm>>) target(%arg8 : memref<2048xf32, #tpu.memory_space<vmem>>) target_semaphore(%run_scoped3A : memref<!tpu.dma_semaphore, #tpu.memory_space<semaphore_mem>>)
        %dma_wait3A = arith.constant 0 : i32
        %dma_wait3A_17 = tpu.memref_slice %arg3[%add3A, %dma_wait3A] : memref<16x2048xf32, #tpu.memory_space<hbm>> -> memref<1x2048xf32, #tpu.memory_space<hbm>>
        %dma_wait3A_18 = tpu.memref_squeeze %dma_wait3A_17 : memref<1x2048xf32, #tpu.memory_space<hbm>> -> memref<2048xf32, #tpu.memory_space<hbm>>
        %dma_wait3A_19 = arith.constant 0 : i32
        %dma_wait3A_20 = tpu.memref_slice %arg3[%add3A, %dma_wait3A_19] : memref<16x2048xf32, #tpu.memory_space<hbm>> -> memref<1x2048xf32, #tpu.memory_space<hbm>>
        %dma_wait3A_21 = tpu.memref_squeeze %dma_wait3A_20 : memref<1x2048xf32, #tpu.memory_space<hbm>> -> memref<2048xf32, #tpu.memory_space<hbm>>
        tpu.wait_dma2 semaphore(%run_scoped3A : memref<!tpu.dma_semaphore, #tpu.memory_space<semaphore_mem>>) src(%dma_wait3A_21 : memref<2048xf32, #tpu.memory_space<hbm>>) dst(%arg8 : memref<2048xf32, #tpu.memory_space<vmem>>)
        tpu.yield
      }) : () -> ()
      "tpu.region"() ({
        %run_scoped3A = tpu.sem_alloc : memref<!tpu.dma_semaphore, #tpu.memory_space<semaphore_mem>>
        %dma_start3A = arith.constant 0 : i32
        %dma_start3A_12 = tpu.memref_slice %arg4[%add3A, %dma_start3A] : memref<16x2048xf32, #tpu.memory_space<hbm>> -> memref<1x2048xf32, #tpu.memory_space<hbm>>
        %dma_start3A_13 = tpu.memref_squeeze %dma_start3A_12 : memref<1x2048xf32, #tpu.memory_space<hbm>> -> memref<2048xf32, #tpu.memory_space<hbm>>
        %dma_start3A_14 = arith.constant 0 : i32
        %dma_start3A_15 = tpu.memref_slice %arg4[%add3A, %dma_start3A_14] : memref<16x2048xf32, #tpu.memory_space<hbm>> -> memref<1x2048xf32, #tpu.memory_space<hbm>>
        %dma_start3A_16 = tpu.memref_squeeze %dma_start3A_15 : memref<1x2048xf32, #tpu.memory_space<hbm>> -> memref<2048xf32, #tpu.memory_space<hbm>>
        tpu.enqueue_dma source(%dma_start3A_16 : memref<2048xf32, #tpu.memory_space<hbm>>) target(%arg9 : memref<2048xf32, #tpu.memory_space<vmem>>) target_semaphore(%run_scoped3A : memref<!tpu.dma_semaphore, #tpu.memory_space<semaphore_mem>>)
        %dma_wait3A = arith.constant 0 : i32
        %dma_wait3A_17 = tpu.memref_slice %arg4[%add3A, %dma_wait3A] : memref<16x2048xf32, #tpu.memory_space<hbm>> -> memref<1x2048xf32, #tpu.memory_space<hbm>>
        %dma_wait3A_18 = tpu.memref_squeeze %dma_wait3A_17 : memref<1x2048xf32, #tpu.memory_space<hbm>> -> memref<2048xf32, #tpu.memory_space<hbm>>
        %dma_wait3A_19 = arith.constant 0 : i32
        %dma_wait3A_20 = tpu.memref_slice %arg4[%add3A, %dma_wait3A_19] : memref<16x2048xf32, #tpu.memory_space<hbm>> -> memref<1x2048xf32, #tpu.memory_space<hbm>>
        %dma_wait3A_21 = tpu.memref_squeeze %dma_wait3A_20 : memref<1x2048xf32, #tpu.memory_space<hbm>> -> memref<2048xf32, #tpu.memory_space<hbm>>
        tpu.wait_dma2 semaphore(%run_scoped3A : memref<!tpu.dma_semaphore, #tpu.memory_space<semaphore_mem>>) src(%dma_wait3A_21 : memref<2048xf32, #tpu.memory_space<hbm>>) dst(%arg9 : memref<2048xf32, #tpu.memory_space<vmem>>)
        tpu.yield
      }) : () -> ()
      "tpu.region"() ({
        %run_scoped3A = tpu.sem_alloc : memref<!tpu.dma_semaphore, #tpu.memory_space<semaphore_mem>>
        tpu.enqueue_dma source(%arg5 : memref<128xi32, #tpu.memory_space<hbm>>) target(%arg12 : memref<128xi32, #tpu.memory_space<vmem>>) target_semaphore(%run_scoped3A : memref<!tpu.dma_semaphore, #tpu.memory_space<semaphore_mem>>)
        tpu.wait_dma2 semaphore(%run_scoped3A : memref<!tpu.dma_semaphore, #tpu.memory_space<semaphore_mem>>) src(%arg5 : memref<128xi32, #tpu.memory_space<hbm>>) dst(%arg12 : memref<128xi32, #tpu.memory_space<vmem>>)
        tpu.yield
      }) : () -> ()
      %iota3A = tpu.iota {dimensions = array<i32: 0>} : vector<16xi32>
      %broadcast_in_dim3A = arith.constant 0x7F800000 : f32
      %broadcast_in_dim3A_3 = vector.broadcast %broadcast_in_dim3A : f32 to vector<16xf32>
      %parallel_loop3A = arith.constant 0 : i32
      %parallel_loop3A_4 = arith.constant 128 : i32
      %parallel_loop3A_5 = arith.constant 1 : i32
      scf.for %parallel_loop3A_12 = %parallel_loop3A to %parallel_loop3A_4 step %parallel_loop3A_5  : i32 {
        %parallel_loop3A_13 = arith.constant 16 : i32
        %parallel_loop3A_14 = arith.muli %parallel_loop3A_12, %parallel_loop3A_13 : i32
        %parallel_loop3A_15 = arith.index_cast %parallel_loop3A_14 : i32 to index
        %parallel_loop3A_16 = tpu.vector_load %arg10[%parallel_loop3A_15] {strides = array<i32>} : memref<2048xf32, #tpu.memory_space<vmem>>, vector<16xf32>,
        tpu.vector_store %arg10[%parallel_loop3A_15], %broadcast_in_dim3A_3 {strides = array<i32>} : memref<2048xf32, #tpu.memory_space<vmem>>, vector<16xf32>,
      } {sc.loop_unroll_factor = 8 : i64, sc.parallel_access}
      %broadcast_in_dim3A_6 = vector.broadcast %add3A : i32 to vector<16xi32>
      %gather3A = tpu.vector_load_idx %arg12[%broadcast_in_dim3A_6] : memref<128xi32, #tpu.memory_space<vmem>>[vector<16xi32>], vector<16xi32>,
      %scan3A = arith.constant 0 : i32
      %scan3A_7 = arith.constant 1024 : i32
      %scan3A_8 = arith.addi %scan3A, %scan3A_7 : i32
      %scan3A_9 = arith.constant 1 : i32
      %scan3A_10 = scf.for %scan3A_12 = %scan3A to %scan3A_8 step %scan3A_9 iter_args(%scan3A_13 = %gather3A) -> (vector<16xi32>)  : i32 {
        %broadcast_in_dim3A_14 = vector.broadcast %scan3A_12 : i32 to vector<16xi32>
        %eq3A = arith.constant 0 : i32
        %eq3A_15 = vector.broadcast %eq3A : i32 to vector<16xi32>
        %eq3A_16 = arith.cmpi eq, %iota3A, %eq3A_15 : vector<16xi32>
        tpu.vector_store_idx %arg11[%broadcast_in_dim3A_14], %scan3A_13 masked %eq3A_16 : memref<1024xi32, #tpu.memory_space<vmem>>[vector<16xi32>], vector<16xi32>, vector<16xi1>
        %gather3A_17 = tpu.vector_load_idx %arg7[%scan3A_13] : memref<2048xf32, #tpu.memory_space<vmem>>[vector<16xi32>], vector<16xf32>,
        %gather3A_18 = tpu.vector_load_idx %arg8[%scan3A_13] : memref<2048xf32, #tpu.memory_space<vmem>>[vector<16xi32>], vector<16xf32>,
        %gather3A_19 = tpu.vector_load_idx %arg9[%scan3A_13] : memref<2048xf32, #tpu.memory_space<vmem>>[vector<16xi32>], vector<16xf32>,
        %broadcast_in_dim3A_20 = arith.constant -1.000000e+00 : f32
        %broadcast_in_dim3A_21 = vector.broadcast %broadcast_in_dim3A_20 : f32 to vector<16xf32>
        %broadcast_in_dim3A_22 = arith.constant 0 : i32
        %broadcast_in_dim3A_23 = vector.broadcast %broadcast_in_dim3A_22 : i32 to vector<16xi32>
        %parallel_loop3A_24 = arith.constant 0 : i32
        %parallel_loop3A_25 = arith.constant 128 : i32
        %parallel_loop3A_26 = arith.constant 1 : i32
        %parallel_loop3A_27:2 = scf.for %parallel_loop3A_47 = %parallel_loop3A_24 to %parallel_loop3A_25 step %parallel_loop3A_26 iter_args(%parallel_loop3A_48 = %broadcast_in_dim3A_21, %parallel_loop3A_49 = %broadcast_in_dim3A_23) -> (vector<16xf32>, vector<16xi32>)  : i32 {
          %parallel_loop3A_50 = arith.constant 16 : i32
          %parallel_loop3A_51 = arith.muli %parallel_loop3A_47, %parallel_loop3A_50 : i32
          %parallel_loop3A_52 = arith.index_cast %parallel_loop3A_51 : i32 to index
          %parallel_loop3A_53 = tpu.vector_load %arg7[%parallel_loop3A_52] {strides = array<i32>} : memref<2048xf32, #tpu.memory_space<vmem>>, vector<16xf32>,
          %parallel_loop3A_54 = arith.subf %parallel_loop3A_53, %gather3A_17 : vector<16xf32>
          %parallel_loop3A_55 = arith.index_cast %parallel_loop3A_51 : i32 to index
          %parallel_loop3A_56 = tpu.vector_load %arg8[%parallel_loop3A_55] {strides = array<i32>} : memref<2048xf32, #tpu.memory_space<vmem>>, vector<16xf32>,
          %parallel_loop3A_57 = arith.subf %parallel_loop3A_56, %gather3A_18 : vector<16xf32>
          %parallel_loop3A_58 = arith.index_cast %parallel_loop3A_51 : i32 to index
          %parallel_loop3A_59 = tpu.vector_load %arg9[%parallel_loop3A_58] {strides = array<i32>} : memref<2048xf32, #tpu.memory_space<vmem>>, vector<16xf32>,
          %parallel_loop3A_60 = arith.subf %parallel_loop3A_59, %gather3A_19 : vector<16xf32>
          %parallel_loop3A_61 = arith.mulf %parallel_loop3A_54, %parallel_loop3A_54 : vector<16xf32>
          %parallel_loop3A_62 = arith.mulf %parallel_loop3A_60, %parallel_loop3A_60 : vector<16xf32>
          %parallel_loop3A_63 = arith.addf %parallel_loop3A_61, %parallel_loop3A_62 : vector<16xf32>
          %parallel_loop3A_64 = arith.mulf %parallel_loop3A_57, %parallel_loop3A_57 : vector<16xf32>
          %parallel_loop3A_65 = arith.addf %parallel_loop3A_63, %parallel_loop3A_64 : vector<16xf32>
          %parallel_loop3A_66 = arith.index_cast %parallel_loop3A_51 : i32 to index
          %parallel_loop3A_67 = tpu.vector_load %arg10[%parallel_loop3A_66] {strides = array<i32>} : memref<2048xf32, #tpu.memory_space<vmem>>, vector<16xf32>,
          %parallel_loop3A_68 = arith.minimumf %parallel_loop3A_67, %parallel_loop3A_65 : vector<16xf32>
          %parallel_loop3A_69 = arith.index_cast %parallel_loop3A_51 : i32 to index
          %parallel_loop3A_70 = tpu.vector_load %arg10[%parallel_loop3A_69] {strides = array<i32>} : memref<2048xf32, #tpu.memory_space<vmem>>, vector<16xf32>,
          tpu.vector_store %arg10[%parallel_loop3A_69], %parallel_loop3A_68 {strides = array<i32>} : memref<2048xf32, #tpu.memory_space<vmem>>, vector<16xf32>,
          %parallel_loop3A_71 = arith.cmpf ogt, %parallel_loop3A_68, %parallel_loop3A_48 : vector<16xf32>
          %parallel_loop3A_72 = arith.select %parallel_loop3A_71, %parallel_loop3A_68, %parallel_loop3A_48 : vector<16xi1>, vector<16xf32>
          %parallel_loop3A_73 = vector.broadcast %parallel_loop3A_47 : i32 to vector<16xi32>
          %parallel_loop3A_74 = arith.select %parallel_loop3A_71, %parallel_loop3A_73, %parallel_loop3A_49 : vector<16xi1>, vector<16xi32>
          scf.yield %parallel_loop3A_72, %parallel_loop3A_74 : vector<16xf32>, vector<16xi32>
        } {sc.loop_unroll_factor = 8 : i64, sc.parallel_access}
        %reduce_max3A = arith.constant true
        %reduce_max3A_28 = vector.broadcast %reduce_max3A : i1 to vector<16xi1>
        %reduce_max3A_29 = tpu.scan <max>, %parallel_loop3A_27#0 masked %reduce_max3A_28 : vector<16xf32>, vector<16xi1> -> vector<16xf32>
        %reduce_max3A_30 = vector.extract %reduce_max3A_29[15] : f32 from vector<16xf32>
        %mul3A_31 = arith.constant 16 : i32
        %mul3A_32 = vector.broadcast %mul3A_31 : i32 to vector<16xi32>
        %mul3A_33 = arith.muli %parallel_loop3A_27#1, %mul3A_32 : vector<16xi32>
        %add3A_34 = arith.addi %mul3A_33, %iota3A : vector<16xi32>
        %eq3A_35 = vector.broadcast %reduce_max3A_30 : f32 to vector<16xf32>
        %eq3A_36 = arith.cmpf oeq, %parallel_loop3A_27#0, %eq3A_35 : vector<16xf32>
        %broadcast_in_dim3A_37 = arith.constant 2048 : i32
        %broadcast_in_dim3A_38 = vector.broadcast %broadcast_in_dim3A_37 : i32 to vector<16xi32>
        %select_n3A = arith.select %eq3A_36, %add3A_34, %broadcast_in_dim3A_38 : vector<16xi1>, vector<16xi32>
        %reduce_min3A = arith.constant true
        %reduce_min3A_39 = vector.broadcast %reduce_min3A : i1 to vector<16xi1>
        %reduce_min3A_40 = arith.constant -2147483648 : i32
        %reduce_min3A_41 = vector.broadcast %reduce_min3A_40 : i32 to vector<16xi32>
        %reduce_min3A_42 = arith.xori %select_n3A, %reduce_min3A_41 : vector<16xi32>
        %reduce_min3A_43 = tpu.scan <min>, %reduce_min3A_42 masked %reduce_min3A_39 : vector<16xi32>, vector<16xi1> -> vector<16xi32>
        %reduce_min3A_44 = arith.xori %reduce_min3A_43, %reduce_min3A_41 : vector<16xi32>
        %reduce_min3A_45 = vector.extract %reduce_min3A_44[15] : i32 from vector<16xi32>
        %broadcast_in_dim3A_46 = vector.broadcast %reduce_min3A_45 : i32 to vector<16xi32>
        scf.yield %broadcast_in_dim3A_46 : vector<16xi32>
      }
      %scan3A_11 = arith.constant 1024 : i32
      "tpu.region"() ({
        %run_scoped3A = tpu.sem_alloc : memref<!tpu.dma_semaphore, #tpu.memory_space<semaphore_mem>>
        %dma_start3A = arith.constant 0 : i32
        %dma_start3A_12 = tpu.memref_slice %arg6[%add3A, %dma_start3A] : memref<16x1024xi32, #tpu.memory_space<hbm>> -> memref<1x1024xi32, #tpu.memory_space<hbm>>
        %dma_start3A_13 = tpu.memref_squeeze %dma_start3A_12 : memref<1x1024xi32, #tpu.memory_space<hbm>> -> memref<1024xi32, #tpu.memory_space<hbm>>
        %dma_start3A_14 = arith.constant 0 : i32
        %dma_start3A_15 = tpu.memref_slice %arg6[%add3A, %dma_start3A_14] : memref<16x1024xi32, #tpu.memory_space<hbm>> -> memref<1x1024xi32, #tpu.memory_space<hbm>>
        %dma_start3A_16 = tpu.memref_squeeze %dma_start3A_15 : memref<1x1024xi32, #tpu.memory_space<hbm>> -> memref<1024xi32, #tpu.memory_space<hbm>>
        tpu.enqueue_dma source(%arg11 : memref<1024xi32, #tpu.memory_space<vmem>>) target(%dma_start3A_16 : memref<1024xi32, #tpu.memory_space<hbm>>) target_semaphore(%run_scoped3A : memref<!tpu.dma_semaphore, #tpu.memory_space<semaphore_mem>>)
        %dma_wait3A = arith.constant 0 : i32
        %dma_wait3A_17 = tpu.memref_slice %arg6[%add3A, %dma_wait3A] : memref<16x1024xi32, #tpu.memory_space<hbm>> -> memref<1x1024xi32, #tpu.memory_space<hbm>>
        %dma_wait3A_18 = tpu.memref_squeeze %dma_wait3A_17 : memref<1x1024xi32, #tpu.memory_space<hbm>> -> memref<1024xi32, #tpu.memory_space<hbm>>
        %dma_wait3A_19 = arith.constant 0 : i32
        %dma_wait3A_20 = tpu.memref_slice %arg6[%add3A, %dma_wait3A_19] : memref<16x1024xi32, #tpu.memory_space<hbm>> -> memref<1x1024xi32, #tpu.memory_space<hbm>>
        %dma_wait3A_21 = tpu.memref_squeeze %dma_wait3A_20 : memref<1x1024xi32, #tpu.memory_space<hbm>> -> memref<1024xi32, #tpu.memory_space<hbm>>
        tpu.wait_dma2 semaphore(%run_scoped3A : memref<!tpu.dma_semaphore, #tpu.memory_space<semaphore_mem>>) src(%arg11 : memref<1024xi32, #tpu.memory_space<vmem>>) dst(%dma_wait3A_21 : memref<1024xi32, #tpu.memory_space<hbm>>)
        tpu.yield
      }) : () -> ()
    } else {
    }
    return
  }
}

</mosaic_0001>

<sc_bundles>
// kernel: kernel.3.cloned.1.call-start
scs
__scs_entry_jumppad:
0x0: {  	(pc) =	sbr.rel $0x88, $3  }
0x1: {  	(tag) =	ssettag $0x0;
	lr =	simm.s32 $0x1  }
0x2: {  	[smem:$0x3F9E] =	sst lr;
	_ =	strace $0xD0000000  }
0x3: {  	_ = 	snop  }
0x4: {  	_ = 	snop  }
0x5: {  	_ = 	snop  }
0x6: {  	_ = 	snop  }
0x7: {  	_ = 	snop  }
__scs_overlays_trampoline_lowered:
0x8: {  	[smem:$0x3FAD] =	sst s0  }
0x9: {  	[smem:$0x3FAE] =	sst s1  }
0xa: {  	[smem:$0x3FAF] =	sst s2  }
0xb: {  	[smem:$0x3FB0] =	sst s3  }
0xc: {  	[smem:$0x3FB1] =	sst s4  }
0xd: {  	[smem:$0x3FB2] =	sst s5  }
0xe: {  	[smem:$0x3FB3] =	sst s6  }
0xf: {  	[smem:$0x3FB4] =	sst s7  }
0x10: {  	[smem:$0x3FB5] =	sst s8  }
0x11: {  	[smem:$0x3FB6] =	sst s9;
	s0 =	simm.s32 @!p0 $0x0  }
0x12: {  	s1 =	sld [smem:$0x3F9C];
	s0 =	simm.s32 @p0 $0x1  }
0x13: {  	[smem:$0x3FB7] =	sst s0;
	s0 =	simm.s32 @!p1 $0x0  }
0x14: {  	s2 =	sld [smem:$0x3F9B];
	s0 =	simm.s32 @p1 $0x1  }
0x15: {  	[smem:$0x3FB8] =	sst s0;
	s0 =	simm.s32 @!p2 $0x0  }
0x16: {  	s3 =	sld [smem:$0x3FDB];
	s0 =	simm.s32 @p2 $0x1  }
0x17: {  	s4 =	simm.s32 $0x1BF5;
	[smem:$0x3FBA] =	sst s0  }
0x18: {  	s0 =	sld [smem:$0x3F9D];
	_ =	swait.ge [sflag:s4], $0x0  }
0x19: {  	s7 =	sld [smem:$0x3F9E]  }
0x1a: {  	s8 =	sadd.s32 $0xFFFFE003, lr  }
0x1b: {  	s9 =	sadd.s32 $0xFFFFFEF7, lr;
	s5 =	simm.s32 $0xFFFFFFFF;
	p2 =	slt.u32 s8, $0xFFFFF086  }
0x1c: {  	p1 =	slt.u32 s9, $0xF7A;
	s5 =	simm.s32 @!p2 $0x0  }
0x1d: {  	s5 =	simm.s32 @p1 $0x1;
	p0 =	seq.s32 s7, s2  }
0x1e: {  	s7 =	smul.u32 @!p0 $0xF7A, s2;
	p2 =	seq.s32 @!p0 s5, $0x0  }
0x1f: {  	s9 =	smul.u32 $0xF7A, s1;
	s8 =	simm.s32 @!p0 $0x1BF5;
	p2 =	por !p2, p0  }
0x20: {  	[sflag:s8] =	ssyncset.s32 @!p0 $0xFFFFF086;
	s6 =	sadd.s32 @!p0 s3, s7;
	s7 =	simm.s32 @!p0 $0x108  }
0x21: {  	s3 =	sadd.s32 s3, s9;
	s6 =	sadd.s32 @!p0 $0x88, s6;
	s7 =	simm.s32 @p2 $0x1082  }
0x22: {  	[simem:s7], [sflag:s8] =	dma.local @!p0 [hbm:s6], $0xF7A  }
0x23: {  	s9 =	sor.u32 $0xD0000000, s2;
	s6 =	simm.s32 $0x108;
	_ =	swait.ge @!p0 [sflag:s8], $0x0  }
0x24: {  	s3 =	sadd.s32 $0x88, s3;
	s6 =	simm.s32 @!p1 $0x1082;
	[sflag:s4] =	ssyncset.s32 $0xFFFFF086  }
0x25: {  	[simem:s6], [sflag:s4] =	dma.local [hbm:s3], $0xF7A  }
0x26: {  	[smem:$0x3F9E] =	sst s1;
	(tag) =	ssettag s2;
	_ =	strace s9  }
0x27: {  	s1 =	sld [smem:$0x3FAE]  }
0x28: {  	s2 =	sld [smem:$0x3FAF]  }
0x29: {  	s4 =	sld [smem:$0x3FB1]  }
0x2a: {  	p0 =	seq.s32 s5, $0x0;
	s5 =	sld [smem:$0x3FB2]  }
0x2b: {  	s6 =	sld [smem:$0x3FB3]  }
0x2c: {  	s7 =	sld [smem:$0x3FB4]  }
0x2d: {  	s3 =	simm.s32 $0x108;
	s8 =	sld [smem:$0x3FB5]  }
0x2e: {  	s3 =	simm.s32 @!p0 $0x1082;
	s9 =	sld [smem:$0x3FB6]  }
0x2f: {  	lr =	sadd.s32 s0, s3;
	s0 =	sld [smem:$0x3FAD]  }
0x30: {  	s3 =	sld [smem:$0x3FB0]  }
0x31: {  	[smem:$0x3FB9] =	sst s10  }
0x32: {  	s10 =	sld [smem:$0x3FB7];
	_ =	sdelay $0x3  }
0x33: {  	p0 =	seq.s32 s10, $0x1;
	s10 =	sld [smem:$0x3FB9];
	_ =	sdelay $0x3  }
0x34: {  	[smem:$0x3FB9] =	sst s10  }
0x35: {  	s10 =	sld [smem:$0x3FB8];
	_ =	sdelay $0x3  }
0x36: {  	p1 =	seq.s32 s10, $0x1;
	s10 =	sld [smem:$0x3FB9];
	_ =	sdelay $0x3  }
0x37: {  	[smem:$0x3FB9] =	sst s10  }
0x38: {  	s10 =	sld [smem:$0x3FBA]  }
0x39: {  	_ = 	snop;
	(pc) =	sbr.ind lr, $3  }
0x3a: {  	_ = 	snop  }
0x3b: {  	_ = 	snop  }
0x3c: {  	p2 =	seq.s32 s10, $0x1;
	s10 =	sld [smem:$0x3FB9]  }
0x3d: {  	_ =	shalt  }
0x3e: {  	_ =	shalt  }
0x3f: {  	_ =	shalt  }
0x40: {  	_ =	shalt  }
0x41: {  	_ =	shalt  }
0x42: {  	_ =	shalt  }
0x43: {  	_ =	shalt  }
0x44: {  	_ =	shalt  }
0x45: {  	_ =	shalt  }
0x46: {  	_ =	shalt  }
0x47: {  	_ =	shalt  }
0x48: {  	_ =	shalt  }
0x49: {  	_ =	shalt  }
0x4a: {  	_ =	shalt  }
0x4b: {  	_ =	shalt  }
0x4c: {  	_ =	shalt  }
0x4d: {  	_ =	shalt  }
0x4e: {  	_ =	shalt  }
0x4f: {  	_ =	shalt  }
0x50: {  	_ =	shalt  }
0x51: {  	_ =	shalt  }
0x52: {  	_ =	shalt  }
0x53: {  	_ =	shalt  }
0x54: {  	_ =	shalt  }
0x55: {  	_ =	shalt  }
0x56: {  	_ =	shalt  }
0x57: {  	_ =	shalt  }
0x58: {  	_ =	shalt  }
0x59: {  	_ =	shalt  }
0x5a: {  	_ =	shalt  }
0x5b: {  	_ =	shalt  }
0x5c: {  	_ =	shalt  }
0x5d: {  	_ =	shalt  }
0x5e: {  	_ =	shalt  }
0x5f: {  	_ =	shalt  }
0x60: {  	_ =	shalt  }
0x61: {  	_ =	shalt  }
0x62: {  	_ =	shalt  }
0x63: {  	_ =	shalt  }
0x64: {  	_ =	shalt  }
0x65: {  	_ =	shalt  }
0x66: {  	_ =	shalt  }
0x67: {  	_ =	shalt  }
0x68: {  	_ =	shalt  }
0x69: {  	_ =	shalt  }
0x6a: {  	_ =	shalt  }
0x6b: {  	_ =	shalt  }
0x6c: {  	_ =	shalt  }
0x6d: {  	_ =	shalt  }
0x6e: {  	_ =	shalt  }
0x6f: {  	_ =	shalt  }
0x70: {  	_ =	shalt  }
0x71: {  	_ =	shalt  }
0x72: {  	_ =	shalt  }
0x73: {  	_ =	shalt  }
0x74: {  	_ =	shalt  }
0x75: {  	_ =	shalt  }
0x76: {  	_ =	shalt  }
0x77: {  	_ =	shalt  }
0x78: {  	_ =	shalt  }
0x79: {  	_ =	shalt  }
0x7a: {  	_ =	shalt  }
0x7b: {  	_ =	shalt  }
0x7c: {  	_ =	shalt  }
0x7d: {  	_ =	shalt  }
0x7e: {  	_ =	shalt  }
0x7f: {  	_ =	shalt  }
0x80: {  	_ =	shalt  }
0x81: {  	_ =	shalt  }
0x82: {  	_ =	shalt  }
0x83: {  	_ =	shalt  }
0x84: {  	_ =	shalt  }
0x85: {  	_ =	shalt  }
0x86: {  	_ =	shalt  }
0x87: {  	_ =	shalt  }
.Lfunc_end0:
.L_simem_size_0:
called_computation_lowered:
.L_overlay_start_0:
0x88: {  	s2 =	sld [smem:$0x3FD9]  }
0x89: {  	s3 =	sld [smem:$0x3FFE];
	_ =	sdelay $0x1  }
0x8a: {  	s1 =	srdreg.scid  }
0x8b: {  	s0 =	sand.u32 $0x1, s1  }
0x8c: {  	s17 =	sshll.u32 s0, $0xA;
	s2 =	sadd.s32 s3, s2  }
0x8d: {  	s2 =	sadd.s32 s2, s17  }
0x8e: {  	[smem:$0x3FC5] =	sst s2  }
0x8f: {  	_ = 	snop  }
0x90: {  	s2 =	sld [smem:$0x3FD0];
	(tm) =	ssettm $0x1  }
0x91: {  	s18 =	sld [smem:$0x3FFB];
	_ =	sdelay $0x3  }
0x92: {  	_ =	strace s18  }
0x93: {  	s3 =	sld [smem:$0x3FFC];
	_ =	sdelay $0x3  }
0x94: {  	_ =	strace s3  }
0x95: {  	s3 =	sld [smem:$0x3FFD];
	_ =	sdelay $0x3  }
0x96: {  	_ =	strace s3  }
0x97: {  	_ =	strace $0x8FFFFFFF  }
0x98: {  	s19 =	sld [smem:$0x3FDB];
	_ =	sdelay $0x1  }
0x99: {  	s4 =	simm.s32 $_scs_section_size  }
0x9a: {  	s5 =	simm.s32 $_size__tile_overlayer_lowered;
	s6 =	simm.s32 $_tile_overlayer_lowered  }
0x9b: {  	s22 =	simm.s32 $0x1BFF;
	s21 =	sshll.u32 s6, $0x1;
	s3 =	sadd.s32 s4, s19  }
0x9c: {  	s7 =	simm.s32 $0x0;
	s20 =	sshll.u32 s5, $0x1;
	s5 =	sadd.s32 s21, s3  }
0x9d: {  	[timem:s7], [sflag:s22] =	dma.local [hbm:s5], s20  }
0x9e: {  	_ =	swait.ge [sflag:s22], s20  }
0x9f: {  	s4 =	ssub.s32 $0x0, s20;
	[sflag:s22] =	ssyncset.done $0x0  }
0xa0: {  	[sflag:s22] =	ssyncadd.s32 s4;
	_ =	sdelay $0x1  }
0xa1: {  	s23 =	simm.s32 $0x1B8B  }
0xa2: {  	_ =	swait.ge [sflag:s23], $0x1  }
0xa3: {  	[sflag:s23] =	ssyncset.done $0x0  }
0xa4: {  	s25 =	simm.s32 $0x1B8E;
	s24 =	sld [smem:$0x3FFE];
	[sflag:s23] =	ssyncadd.s32 $0xFFFFFFFF  }
0xa5: {  	s26 =	simm.s32 $execute0_lowered;
	[smem:$0x3FD2] =	sst s25  }
0xa6: {  	s5 =	sshll.u32 s26, $0x1;
	_ =	strace $0x80000046;
	[dreg:$0x1] =	wrdreg $0xFFFFFFFF  }
0xa7: {  	s28 =	simm.s32 $_size_execute0_lowered;
	s3 =	sadd.s32 s3, s5;
	[dreg:$0x0] =	wrdreg $0x0  }
0xa8: {  	s5 =	sshll.u32 s28, $0x1;
	[dreg:$0x2] =	wrdreg s3  }
0xa9: {  	[dreg:$0x3] =	wrdreg s5  }
0xaa: {  	[dreg:$0x4] =	wrdreg $0xC0  }
0xab: {  	_ =	task [dreg:s7], $0x5FFFF  }
0xac: {  	[dreg:$0x1] =	wrdreg $0xFFFFFFFF  }
0xad: {  	[dreg:$0x0] =	wrdreg $0x60  }
0xae: {  	[dreg:$0x2] =	wrdreg s24  }
0xaf: {  	[dreg:$0x3] =	wrdreg s2  }
0xb0: {  	[dreg:$0x4] =	wrdreg $0x9  }
0xb1: {  	_ =	task.clear_ibuf [dreg:s7], $0x5FFFF;
	_ =	strace $0x90000046  }
0xb2: {  	s29 =	simm.s32 $0x9;
	_ =	strace $0x80000048  }
0xb3: {  	_ =	swait.ge [sflag:s29], $0x1  }
0xb4: {  	[sflag:s29] =	ssyncadd.s32 $0xFFFFFFFF  }
0xb5: {  	_ =	strace $0x90000048  }
0xb6: {  	_ =	sfence  }
0xb7: {  	s30 =	sld [smem:$0x0];
	_ =	sdelay $0x2  }
0xb8: {  	s31 =	sshll.u32 s1, $0xD;
	s1 =	sshrl.u32 s1, $0x2  }
0xb9: {  	s3 =	sand.u32 $0x4000, s31;
	s1 =	sadd.s32 s1, s30  }
0xba: {  	s0 =	sor.u32 s3, s0;
	s1 =	sshll.u32 s1, $0x11  }
0xbb: {  	s0 =	sor.u32 s1, s0  }
0xbc: {  	s0 =	sadd.s32 $0x8F2B, s0  }
0xbd: {  	[sflag:s0] =	ssyncadd.remote.s32 $0x1  }
0xbe: {  	_ =	sfence.sel $0xFFFF  }
0xbf: {  	[dreg:$0x0] =	wrdreg $0xFFFFFFFF;
	(pc) =	sbr.abs _section_cstart, $3  }
0xc0: {  	[dreg:$0x1] =	wrdreg $0xFFFFFFFF  }
0xc1: {  	_ =	task.clear_ibuf [dreg:s7], $0x2FFFF;
	_ =	strace $0x9FFFFFFF  }
0xc2: {  	(tm) =	ssettm $0x7FFFFFFF  }
0xc3: {  	_ =	shalt  }
tec
execute0_lowered:
.L_overlay_start_1:
0x0: {  	(tag) =	ssettag $0x1  }
0x1: {  	s1 =	stileid.u32  }
0x2: {  	p0 =	sgt.u32 s1, $0x7  }
.Ltmp0:
0x3: {  	_ = 	snop;
	(pc) =	sbr.rel @p0 .LBB2_9-.Ltmp0, $4  }
0x4: {  	s3 =	rddreg [dreg:$0x0]  }
0x5: {  	s6 =	rddreg [dreg:$0x1];
	s2 =	simm.s32 $0x0  }
0x6: {  	[smem:$0x7FF] =	sst s2  }
0x7: {  	s0 =	rddreg [dreg:$0x2];
	_ =	strace $0x80000047  }
0x8: {  	s4 =	srdreg.scid;
	s28 =	sshll.u32 s1, $0x1  }
0x9: {  	s29 =	sshrl.u32 s1, $0x2;
	s9 =	sadd.s32 $0x2A00, s3;
	s5 =	sand.u32 $0x1, s4  }
0xa: {  	s12 =	simm.s32 $0x800;
	s13 =	simm.s32 $0x1000;
	s14 =	sor.u32 s5, s28  }
0xb: {  	s15 =	simm.s32 $0x2000;
	s16 =	simm.s32 $0x0;
	s7 =	sshll.u32 s14, $0x7  }
0xc: {  	s8 =	sshll.u32 s29, $0xE;
	s30 =	ssub.s32 $0x2, s5;
	s7 =	sand.u32 $0x380, s7  }
0xd: {  	s11 =	sshll.u32 s29, $0xD;
	s31 =	sshrl.u32 s30, $0x1;
	s8 =	sor.u32 s8, s7  }
0xe: {  	v0 =	vmov s14;
	s14 =	simm.s32 $0x2400;
	s7 =	sor.u32 s11, s7;
	s8 =	sshrl.u32 s8, $0x3  }
0xf: {  	s11 =	simm.s32 $0x1;
	s7 =	sshrl.u32 s7, $0x3;
	s10 =	sadd.s32 s8, s3  }
0x10: {  	s3 =	sadd.s32 $0x3A00, s3;
	s6 =	sadd.s32 s6, s7;
	s7 =	sadd.s32 s9, s8  }
0x11: {  	v2 =	vlaneseq.u32;
	s4 =	sadd.s32 $0x1A00, s10;
	s5 =	sadd.s32 $0xA00, s10;
	s10 =	ssub.s32 s30, s31  }
0x12: {  	v1 =	vimm.f32 $+Inf;
	v2 =	vor.u32 $0x80000000, v2;
	s9 =	simm.s32 $0x80;
	s8 =	smax.u32 s10, $0x1;
	s10 =	simm.s32 $0x400  }
.LBB2_2:
0x13: {  	[tilespmem:s2], [sflag:$0x1] =	stream.strided.gather [hbm4b:s7+s9], $0x800, s10, s9, $0x38;
	[tilespmem:$0x2480] =	vst v63  }
0x14: {  	_ =	swait.ge [sflag:s11], $0x800  }
0x15: {  	[sflag:s11] =	ssyncset.done $0x0  }
0x16: {  	[sflag:s11] =	ssyncadd.s32 $0xFFFFF800  }
0x17: {  	[tilespmem:s12], [sflag:$0x1] =	stream.strided.gather [hbm4b:s4+s9], $0x800, s10, s9, $0x38;
	[tilespmem:$0x2480] =	vst v63  }
0x18: {  	_ =	swait.ge [sflag:s11], $0x800  }
0x19: {  	[sflag:s11] =	ssyncset.done $0x0  }
0x1a: {  	[sflag:s11] =	ssyncadd.s32 $0xFFFFF800  }
0x1b: {  	[tilespmem:s13], [sflag:$0x1] =	stream.strided.gather [hbm4b:s5+s9], $0x800, s10, s9, $0x38;
	[tilespmem:$0x2480] =	vst v63  }
0x1c: {  	_ =	swait.ge [sflag:s11], $0x800  }
0x1d: {  	[sflag:s11] =	ssyncset.done $0x0  }
0x1e: {  	[sflag:s11] =	ssyncadd.s32 $0xFFFFF800  }
0x1f: {  	[tilespmem:s14], [sflag:$0x1] =	stream.linear.gather [hbm4b:s3+s2], $0x80, $0x38;
	[tilespmem:$0x2480] =	vst v63  }
0x20: {  	_ =	swait.ge [sflag:s11], $0x80  }
0x21: {  	[sflag:s11] =	ssyncset.done $0x0  }
0x22: {  	s17 =	simm.s32 $0x1840;
	[sflag:s11] =	ssyncadd.s32 $0xFFFFFF80  }
0x23: {  	[tilespmem:s17+$0xFFFFFFC0] =	vst v1  }
0x24: {  	[tilespmem:s17+$0x30] =	vst v1  }
0x25: {  	[tilespmem:s17+$0x20] =	vst v1  }
0x26: {  	[tilespmem:s17+$0x10] =	vst v1  }
0x27: {  	[tilespmem:s17+$0x0] =	vst v1  }
0x28: {  	[tilespmem:s17+$0xFFFFFFF0] =	vst v1  }
0x29: {  	s18 =	simm.s32 $0x0;
	[tilespmem:s17+$0xFFFFFFE0] =	vst v1  }
.LBB2_3:
0x2a: {  	s18 =	sadd.s32 $0x8, s18;
	[tilespmem:s17+$0xFFFFFFD0] =	vst v1;
	s17 =	sadd.s32 $0x80, s17  }
0x2b: {  	[tilespmem:s17+$0xFFFFFFC0] =	vst v1;
	p0 =	slt.u32 s18, $0x78  }
0x2c: {  	[tilespmem:s17+$0x30] =	vst v1  }
.Ltmp1:
0x2d: {  	[tilespmem:s17+$0x20] =	vst v1;
	(pc) =	sbr.rel @p0 .LBB2_3-.Ltmp1, $4  }
0x2e: {  	[tilespmem:s17+$0x10] =	vst v1  }
0x2f: {  	[tilespmem:s17+$0x0] =	vst v1  }
0x30: {  	[tilespmem:s17+$0xFFFFFFF0] =	vst v1  }
0x31: {  	[tilespmem:s17+$0xFFFFFFE0] =	vst v1  }
0x32: {  	_ =	sdelay $0x2  }
0x33: {  	[tilespmem:s17+$0xFFFFFFD0] =	vst v1  }
0x34: {  	s17 =	simm.s32 $0x0;
	s18 =	simm.s32 $0x0;
	v5 =	vld.idx.msk [tilespmem:v0+s14+$0x0], $0xffff  }
.LBB2_5:
0x35: {  	_ =	sdelay $0x1  }
0x36: {  	v3 =	vmov s18;
	_ =	sdelay $0x4  }
0x37: {  	[tilespmem:v3+s15+$0x0] =	vst.idx.msk $0x1, v5  }
0x38: {  	v4 =	vld.idx.msk [tilespmem:v5+s17+$0x0], $0xffff  }
0x39: {  	v3 =	vld.idx.msk [tilespmem:v5+s12+$0x0], $0xffff  }
0x3a: {  	s22 =	simm.s32 $0x1040;
	v5 =	vld.idx.msk [tilespmem:v5+s13+$0x0], $0xffff  }
0x3b: {  	s20 =	simm.s32 $0x40;
	v6 =	vld [tilespmem:s22+$0xFFFFFFE0]  }
0x3c: {  	v7 =	vld [tilespmem:s20+$0xFFFFFFF0]  }
0x3d: {  	s21 =	simm.s32 $0x840;
	v8 =	vld [tilespmem:s20+$0xFFFFFFE0]  }
0x3e: {  	v9 =	vld [tilespmem:s21+$0xFFFFFFD0]  }
0x3f: {  	v10 =	vld [tilespmem:s21+$0xFFFFFFC0]  }
0x40: {  	v11 =	vld [tilespmem:s20+$0xFFFFFFD0]  }
0x41: {  	v12 =	vld [tilespmem:s22+$0xFFFFFFC0]  }
0x42: {  	v13 =	vld [tilespmem:s20+$0xFFFFFFC0]  }
0x43: {  	v16 =	vld [tilespmem:s22+$0xFFFFFFD0]  }
0x44: {  	v15 =	vld [tilespmem:s21+$0xFFFFFFE0]  }
0x45: {  	v14 =	vld [tilespmem:s22+$0xFFFFFFF0];
	v6 =	vsub.f32 v6, v5  }
0x46: {  	v18 =	vld [tilespmem:s22+$0x10];
	v10 =	vsub.f32 v10, v3;
	v11 =	vsub.f32 v11, v4  }
0x47: {  	v17 =	vimm.f32 $-1.000000000e+00;
	v20 =	vld [tilespmem:s21+$0xFFFFFFF0];
	v8 =	vsub.f32 v8, v4;
	v12 =	vsub.f32 v12, v5  }
0x48: {  	v21 =	vld [tilespmem:s20+$0x10];
	v16 =	vsub.f32 v16, v5;
	v7 =	vsub.f32 v7, v4;
	v6 =	vmul.f32 v6, v6  }
0x49: {  	s19 =	simm.s32 $0x1840;
	v22 =	vld [tilespmem:s22+$0x0];
	v15 =	vsub.f32 v15, v3;
	v8 =	vmul.f32 v8, v8;
	v11 =	vmul.f32 v11, v11  }
0x4a: {  	v23 =	vld [tilespmem:s19+$0xFFFFFFE0];
	v9 =	vsub.f32 v9, v3;
	v16 =	vmul.f32 v16, v16;
	v25 =	vmul.f32 v7, v7  }
0x4b: {  	v7 =	vsub.f32 v13, v4;
	v13 =	vld [tilespmem:s19+$0xFFFFFFD0];
	v6 =	vadd.f32 v6, v8;
	v8 =	vmul.f32 v15, v15  }
0x4c: {  	v20 =	vsub.f32 v20, v3;
	v10 =	vmul.f32 v10, v10;
	v9 =	vmul.f32 v9, v9;
	v15 =	vld [tilespmem:s20+$0x0]  }
0x4d: {  	v24 =	vld [tilespmem:s19+$0xFFFFFFC0];
	v12 =	vmul.f32 v12, v12;
	v11 =	vadd.f32 v16, v11;
	v6 =	vadd.f32 v6, v8  }
0x4e: {  	v63 =	vld [tilespmem:s19+$0x0];
	v8 =	vsub.f32 v14, v5;
	v14 =	vmul.f32 v20, v20;
	v20 =	vmul.f32 v7, v7  }
0x4f: {  	v16 =	vld [tilespmem:s21+$0x0];
	v9 =	vadd.f32 v11, v9;
	v11 =	vsub.f32 v18, v5;
	v7 =	vmin.f32 v23, v6  }
0x50: {  	v6 =	vsub.f32 v22, v5;
	v22 =	vld [tilespmem:s22+$0x20];
	v8 =	vmul.f32 v8, v8;
	v12 =	vadd.f32 v12, v20  }
0x51: {  	v23 =	vld [tilespmem:s21+$0x10];
	v26 =	vmin.f32 v13, v9;
	v13 =	vsub.f32 v21, v4;
	v15 =	vsub.f32 v15, v4  }
0x52: {  	v20 =	vld [tilespmem:s20+$0x20];
	v11 =	vmul.f32 v11, v11;
	v18 =	vmul.f32 v6, v6;
	v8 =	vadd.f32 v8, v25  }
0x53: {  	v9 =	vld [tilespmem:s19+$0xFFFFFFF0];
	v10 =	vadd.f32 v12, v10;
	v13 =	vmul.f32 v13, v13;
	v12 =	vmul.f32 v15, v15  }
0x54: {  	v19 =	vimm.s32 $0x0;
	v6 =	vld [tilespmem:s19+$0x30];
	v14 =	vadd.f32 v8, v14;
	v8 =	vsub.f32 v16, v3  }
0x55: {  	v10 =	vmin.f32 v24, v10;
	v11 =	vadd.f32 v11, v13;
	v13 =	vld [tilespmem:s20+$0x30];
	v15 =	vadd.f32 v18, v12  }
0x56: {  	v12 =	vld [tilespmem:s21+$0x20];
	v16 =	vsub.f32 v22, v5;
	vm1 =	vgt.f32 v10, v17;
	v18 =	vmul.f32 v8, v8  }
0x57: {  	[tilespmem:s19+$0xFFFFFFE0] =	vst v7;
	v22 =	vsub.f32 v20, v4;
	v20 =	vsub.f32 v23, v3;
	v8 =	vld [tilespmem:s21+$0x30];
	v21 =	vsel vm1, v10, v17  }
0x58: {  	[tilespmem:s19+$0xFFFFFFD0] =	vst v26;
	v14 =	vmin.f32 v9, v14;
	v9 =	vld [tilespmem:s19+$0x20];
	vm0 =	vgt.f32 v26, v21;
	v18 =	vadd.f32 v15, v18  }
0x59: {  	s23 =	simm.s32 $0x8;
	s26 =	simm.s32 $0x1;
	[tilespmem:s19+$0xFFFFFFC0] =	vst v10;
	v17 =	vsel vm1, s17, v19;
	v16 =	vmul.f32 v16, v16;
	v21 =	vsel vm0, v26, v21;
	v15 =	vld [tilespmem:s19+$0x10]  }
0x5a: {  	s24 =	simm.s32 $0x10C0;
	s25 =	simm.s32 $0x1840;
	[tilespmem:s19+$0xFFFFFFF0] =	vst v14;
	v19 =	vmul.f32 v22, v22;
	vm1 =	vgt.f32 v7, v21;
	v10 =	vmin.f32 v63, v18;
	v18 =	vld [tilespmem:s22+$0x30];
	s22 =	simm.s32 $0x0  }
.LBB2_6:
0x5b: {  	s20 =	sadd.s32 $0x80, s20  }
0x5c: {  	v22 =	vld [tilespmem:s24+$0xFFFFFFE0];
	v17 =	vsel vm0, s26, v17;
	v7 =	vsel vm1, v7, v21;
	[tilespmem:s19+$0x0] =	vst v10;
	v20 =	vmul.f32 v20, v20;
	s21 =	sadd.s32 $0x80, s21;
	s25 =	sadd.s32 $0x80, s25;
	s26 =	smov.u32 s23  }
0x5d: {  	p0 =	slt.u32 s23, $0x78;
	s23 =	sadd.s32 $0x8, s23;
	s28 =	sadd.s32 $0x2, s22;
	v12 =	vsub.f32 v12, v3;
	v21 =	vld [tilespmem:s20+$0xFFFFFFF0];
	vm0 =	vgt.f32 v14, v7;
	v16 =	vadd.f32 v16, v19  }
0x5e: {  	v17 =	vsel vm1, s28, v17;
	v19 =	vld [tilespmem:s20+$0xFFFFFFE0];
	v7 =	vsel vm0, v14, v7;
	v11 =	vadd.f32 v11, v20  }
0x5f: {  	v13 =	vsub.f32 v13, v4;
	v12 =	vmul.f32 v12, v12;
	v14 =	vld [tilespmem:s21+$0xFFFFFFD0];
	vm1 =	vgt.f32 v10, v7  }
0x60: {  	v20 =	vld [tilespmem:s21+$0xFFFFFFC0];
	v7 =	vsel vm1, v10, v7;
	v10 =	vmin.f32 v15, v11;
	v11 =	vsub.f32 v18, v5  }
0x61: {  	s28 =	sadd.s32 $0x3, s22;
	v12 =	vadd.f32 v16, v12;
	v15 =	vld [tilespmem:s20+$0xFFFFFFD0];
	v18 =	vsub.f32 v22, v5;
	[tilespmem:s19+$0x10] =	vst v10;
	vm2 =	vgt.f32 v10, v7  }
0x62: {  	v17 =	vsel vm0, s28, v17;
	s28 =	sadd.s32 $0x4, s22;
	v16 =	vld [tilespmem:s24+$0xFFFFFFC0];
	v7 =	vsel vm2, v10, v7;
	v10 =	vmul.f32 v13, v13  }
0x63: {  	v17 =	vsel vm1, s28, v17;
	s28 =	sadd.s32 $0x5, s22;
	v9 =	vmin.f32 v9, v12;
	v11 =	vmul.f32 v11, v11;
	v13 =	vld [tilespmem:s20+$0xFFFFFFC0]  }
0x64: {  	v8 =	vsub.f32 v8, v3;
	v17 =	vsel vm2, s28, v17;
	vm0 =	vgt.f32 v9, v7;
	v12 =	vld [tilespmem:s24+$0xFFFFFFF0];
	[tilespmem:s19+$0x20] =	vst v9  }
0x65: {  	v18 =	vmul.f32 v18, v18;
	v7 =	vsel vm0, v9, v7;
	v9 =	vadd.f32 v11, v10;
	v22 =	vld [tilespmem:s21+$0xFFFFFFE0]  }
0x66: {  	v8 =	vmul.f32 v8, v8;
	s28 =	sadd.s32 $0x6, s22;
	v10 =	vsub.f32 v20, v3;
	v11 =	vsub.f32 v15, v4;
	v15 =	vld [tilespmem:s24+$0xFFFFFFD0]  }
0x67: {  	v14 =	vsub.f32 v14, v3;
	v17 =	vsel vm0, s28, v17;
	v16 =	vsub.f32 v16, v5;
	v20 =	vld [tilespmem:s24+$0x10]  }
0x68: {  	v19 =	vsub.f32 v19, v4;
	v8 =	vadd.f32 v9, v8;
	v10 =	vmul.f32 v10, v10;
	v23 =	vld [tilespmem:s21+$0xFFFFFFF0]  }
0x69: {  	v9 =	vmul.f32 v11, v11;
	v11 =	vmul.f32 v14, v14;
	v14 =	vsub.f32 v21, v4;
	v21 =	vld [tilespmem:s20+$0x10]  }
0x6a: {  	v19 =	vmul.f32 v19, v19;
	v6 =	vmin.f32 v6, v8;
	v22 =	vsub.f32 v22, v3;
	v24 =	vld [tilespmem:s24+$0x0]  }
0x6b: {  	v8 =	vmul.f32 v16, v16;
	v14 =	vmul.f32 v14, v14;
	v15 =	vsub.f32 v15, v5;
	v16 =	vld [tilespmem:s25+$0xFFFFFFE0];
	[tilespmem:s19+$0x30] =	vst v6;
	s19 =	smov.u32 s25  }
0x6c: {  	v18 =	vadd.f32 v18, v19;
	vm0 =	vgt.f32 v6, v7;
	v19 =	vmul.f32 v22, v22;
	v22 =	vld [tilespmem:s20+$0x0]  }
0x6d: {  	v13 =	vsub.f32 v13, v4;
	v25 =	vld [tilespmem:s25+$0xFFFFFFC0];
	v15 =	vmul.f32 v15, v15;
	v23 =	vsub.f32 v23, v3  }
0x6e: {  	s28 =	sadd.s32 $0x7, s22;
	s22 =	smov.u32 s26;
	v12 =	vsub.f32 v12, v5;
	v26 =	vld [tilespmem:s25+$0xFFFFFFD0];
	v18 =	vadd.f32 v18, v19;
	v19 =	vsel vm0, v6, v7  }
0x6f: {  	v17 =	vsel vm0, s28, v17;
	v6 =	vadd.f32 v15, v9;
	v9 =	vmul.f32 v23, v23;
	v15 =	vld [tilespmem:s21+$0x0]  }
0x70: {  	v13 =	vmul.f32 v13, v13;
	v7 =	vmin.f32 v16, v18;
	v16 =	vsub.f32 v24, v5;
	v18 =	vld [tilespmem:s24+$0x20]  }
0x71: {  	v6 =	vadd.f32 v6, v11;
	[tilespmem:s25+$0xFFFFFFE0] =	vst v7;
	v11 =	vmul.f32 v12, v12;
	v23 =	vld [tilespmem:s21+$0x10];
	v12 =	vsub.f32 v20, v5  }
0x72: {  	v8 =	vadd.f32 v8, v13;
	v13 =	vsub.f32 v22, v4;
	v16 =	vmul.f32 v16, v16;
	v20 =	vld [tilespmem:s20+$0x20]  }
0x73: {  	v21 =	vsub.f32 v21, v4;
	v22 =	vmin.f32 v26, v6;
	v11 =	vadd.f32 v11, v14;
	v14 =	vld [tilespmem:s25+$0xFFFFFFF0]  }
0x74: {  	v8 =	vadd.f32 v8, v10;
	v10 =	vmul.f32 v13, v13;
	v13 =	vmul.f32 v12, v12;
	[tilespmem:s25+$0xFFFFFFD0] =	vst v22;
	v6 =	vld [tilespmem:s25+$0x30]  }
0x75: {  	v9 =	vadd.f32 v11, v9;
	v11 =	vsub.f32 v15, v3;
	v24 =	vld [tilespmem:s25+$0x0];
	v15 =	vmul.f32 v21, v21  }
0x76: {  	v21 =	vmin.f32 v25, v8;
	v10 =	vadd.f32 v16, v10;
	v16 =	vsub.f32 v18, v5;
	v12 =	vld [tilespmem:s21+$0x20]  }
.Ltmp2:
0x77: {  	vm1 =	vgt.f32 v21, v19;
	[tilespmem:s25+$0xFFFFFFC0] =	vst v21;
	v18 =	vmul.f32 v11, v11;
	v11 =	vadd.f32 v13, v15;
	v8 =	vld [tilespmem:s21+$0x30];
	(pc) =	sbr.rel @p0 .LBB2_6-.Ltmp2, $4  }
0x78: {  	v15 =	vsel vm1, v21, v19;
	v16 =	vmul.f32 v16, v16;
	v14 =	vmin.f32 v14, v9;
	v13 =	vld [tilespmem:s20+$0x30]  }
0x79: {  	vm0 =	vgt.f32 v22, v15;
	[tilespmem:s25+$0xFFFFFFF0] =	vst v14;
	v10 =	vadd.f32 v10, v18;
	v18 =	vsub.f32 v20, v4;
	v9 =	vld [tilespmem:s25+$0x20]  }
0x7a: {  	v17 =	vsel vm1, s22, v17;
	v21 =	vsel vm0, v22, v15;
	v20 =	vsub.f32 v23, v3;
	v15 =	vld [tilespmem:s25+$0x10]  }
0x7b: {  	s26 =	sadd.s32 $0x1, s22;
	vm1 =	vgt.f32 v7, v21;
	v10 =	vmin.f32 v24, v10;
	v19 =	vmul.f32 v18, v18;
	v18 =	vld [tilespmem:s24+$0x30];
	s24 =	sadd.s32 $0x80, s24  }
0x7c: {  	_ =	sdelay $0x1  }
0x7d: {  	v7 =	vsel vm1, v7, v21;
	v12 =	vsub.f32 v12, v3  }
0x7e: {  	v20 =	vmul.f32 v20, v20;
	v3 =	vsub.f32 v8, v3;
	v16 =	vadd.f32 v16, v19  }
0x7f: {  	vm2 =	vgt.f32 v14, v7;
	v4 =	vsub.f32 v13, v4;
	v5 =	vsub.f32 v18, v5  }
0x80: {  	v7 =	vsel vm2, v14, v7;
	v11 =	vadd.f32 v11, v20;
	v12 =	vmul.f32 v12, v12  }
0x81: {  	vm3 =	vgt.f32 v10, v7;
	v4 =	vmul.f32 v4, v4;
	v5 =	vmul.f32 v5, v5  }
0x82: {  	v3 =	vmul.f32 v3, v3;
	v7 =	vsel vm3, v10, v7  }
0x83: {  	v62 =	vmin.f32 v15, v11;
	v63 =	vadd.f32 v16, v12;
	v4 =	vadd.f32 v5, v4  }
0x84: {  	vm4 =	vgt.f32 v62, v7  }
0x85: {  	v5 =	vsel vm4, v62, v7;
	v7 =	vmin.f32 v9, v63;
	v3 =	vadd.f32 v4, v3  }
0x86: {  	vm5 =	vgt.f32 v7, v5  }
0x87: {  	v4 =	vsel vm5, v7, v5;
	v3 =	vmin.f32 v6, v3  }
0x88: {  	vm6 =	vgt.f32 v3, v4  }
0x89: {  	v4 =	vsel vm6, v3, v4  }
0x8a: {  	(xrf0) =	vmax.scan.msk.f32 $0xffff, v4  }
0x8b: {  	s20 =	sadd.s32 $0x2, s22;
	v5 =	vsel vm0, s26, v17  }
0x8c: {  	s25 =	sadd.s32 $0x3, s22;
	v5 =	vsel vm1, s20, v5  }
0x8d: {  	s26 =	sadd.s32 $0x4, s22;
	v5 =	vsel vm2, s25, v5  }
0x8e: {  	s28 =	sadd.s32 $0x5, s22;
	v5 =	vsel vm3, s26, v5  }
0x8f: {  	s29 =	sadd.s32 $0x6, s22;
	v5 =	vsel vm4, s28, v5  }
0x90: {  	s30 =	sadd.s32 $0x7, s22;
	v5 =	vsel vm5, s29, v5;
	v6, _, _ =	vpop (xrf0)  }
0x91: {  	v5 =	vsel vm6, s30, v5;
	v6 =	vbroadcast v6, $0xF  }
0x92: {  	v5 =	vshll.u32 v5, $0x4  }
0x93: {  	vm15 =	veq.f32 v4, v6;
	v4 =	vxor.u32 v2, v5  }
0x94: {  	v4 =	vnsel vm15, $0x80000800, v4  }
0x95: {  	(xrf0) =	vmin.scan.msk.u32 $0xffff, v4;
	_ =	sdelay $0x5  }
0x96: {  	v4, _, _ =	vpop (xrf0)  }
0x97: {  	(v2sf) =	vpush v4, $0xF;
	_ =	sdelay $0xa  }
0x98: {  	s18 =	sadd.s32 $0x1, s18  }
0x99: {  	p0 =	sne.s32 s18, $0x400  }
.Ltmp3:
0x9a: {  	_ = 	snop;
	(pc) =	sbr.rel @p0 .LBB2_5-.Ltmp3, $4  }
0x9b: {  	[tilespmem:s19+$0x0] =	vst v10  }
0x9c: {  	[tilespmem:s19+$0x10] =	vst v62;
	s31 =	spop (v2sf)  }
0x9d: {  	[tilespmem:s19+$0x20] =	vst v7;
	s20 =	sxor.u32 $0x80000000, s31  }
0x9e: {  	[tilespmem:s19+$0x30] =	vst v3;
	v5 =	vmov s20  }
0x9f: {  	s16 =	sadd.s32 $0x1, s16  }
0xa0: {  	p0 =	sne.s32 s16, s8  }
.Ltmp4:
0xa1: {  	_ = 	snop;
	(pc) =	sbr.rel @p0 .LBB2_2-.Ltmp4, $4  }
0xa2: {  	[hbm4b:s6+s9] =	stream.strided.scatter [tilespmem:s15], [sflag:$0x1], $0x400, s10, s9, $0x38;
	[tilespmem:$0x2480] =	vst v63  }
0xa3: {  	_ =	swait.ge [sflag:s11], $0x400  }
0xa4: {  	[sflag:s11] =	ssyncset.done $0x0  }
0xa5: {  	[sflag:s11] =	ssyncadd.s32 $0xFFFFFC00  }
.LBB2_9:
0xa6: {  	_ =	sfence.sel $0x180000  }
0xa7: {  	[bflag:$0x0] =	sbarrier.arrive $0xFFFF  }
0xa8: {  	p0 =	sne.s32 s1, $0x0;
	_ =	strace $0x90000047  }
0xa9: {  	s0 =	sadd.s32 @!p0 $0x100000, s0;
	[bflag:$0x2] =	sbarrier.arrive $0xFFFF  }
0xaa: {  	[sflag:s0] =	ssyncadd.tile.s32 @!p0 $0x1;
	_ =	shalt  }
.Lfunc_end2:
_tile_overlayer_lowered:
.L_overlay_start_2:
0xab: {  	(tag) =	ssettag $0x2  }
0xac: {  	s0 =	rddreg [dreg:$0x0];
	s2 =	stileid.u32  }
0xad: {  	s1 =	rddreg [dreg:$0x1];
	p0 =	sne.s32 s2, $0x0  }
0xae: {  	s3 =	rddreg [dreg:$0x2];
	[bflag:$0x3] =	sbarrier.arrive $0xFFFF;
	s2 =	simm.s32 @!p0 $0x1C01  }
0xaf: {  	[timem:s3], [sflag:s2] =	dma.local @!p0 [hbm:s0], s1  }
0xb0: {  	s0 =	simm.s32 @!p0 $0x1  }
0xb1: {  	_ =	swait.ge @!p0 [sflag:s0], s1  }
0xb2: {  	s1 =	ssub.s32 @!p0 $0x0, s1;
	[sflag:s0] =	ssyncset.done @!p0 $0x0  }
0xb3: {  	[sflag:s0] =	ssyncadd.s32 @!p0 s1  }
0xb4: {  	[bflag:$0x3] =	sbarrier.arrive $0xFFFF  }
0xb5: {  	_ =	shalt  }

</sc_bundles>
